<compile_context>
chip_gen: v7x
topology: tpu7x:2x2x1
jax: 0.10.2.dev20260603
libtpu: 0.0.44.dev20260713+nightly
codegen_flags: <defaults>
</compile_context>

<pallas_src>
import functools

import jax
import jax.numpy as jnp
from jax import lax
from jax.experimental import pallas as pl
from jax.experimental.pallas import tpu as pltpu
from jax.experimental.pallas import tpu_sc as plsc


def _mm_body(x_ref, w_ref, b_ref, o_ref):
    xt = x_ref[...]
    o_ref[...] = jnp.dot(xt.astype(jnp.bfloat16), w_ref[...],
                         preferred_element_type=jnp.float32) + b_ref[...]


def _matmul(xr, wb, br, N, D, TS):
    return pl.pallas_call(
        _mm_body,
        grid=(N // TS,),
        in_specs=[
            pl.BlockSpec((TS, D), lambda i: (i, 0)),
            pl.BlockSpec((D, D), lambda i: (0, 0)),
            pl.BlockSpec((1, D), lambda i: (0, 0)),
        ],
        out_specs=pl.BlockSpec((TS, D), lambda i: (i, 0)),
        out_shape=jax.ShapeDtypeStruct((N, D), jnp.float32),
        compiler_params=pltpu.CompilerParams(
            dimension_semantics=("arbitrary",),
        ),
    )(xr, wb, br)


def _sc_scatter_body(S, K, y_ref, acts_ref, mask_ref, idx_v, rows_v, sem):
    c = lax.axis_index("c")
    s = lax.axis_index("s")
    wid = s * 2 + c
    per = 16
    nparts = K // per

    @pl.when(wid < 2 * nparts)
    def _():
        batch = wid // nparts
        off = (wid % nparts) * per
        pltpu.sync_copy(mask_ref.at[pl.ds(off, per)], idx_v)
        idx = idx_v[...] + batch * S
        pltpu.sync_copy(acts_ref.at[pl.ds(off, per)], rows_v)
        pltpu.async_copy(rows_v, y_ref.at[idx], sem).wait()


def _sc_scatter(y2d, acts, mask_idxs, S, K, D):
    mesh = plsc.VectorSubcoreMesh(core_axis_name="c", subcore_axis_name="s")
    body = functools.partial(_sc_scatter_body, S, K)
    fn = pl.kernel(
        body,
        (),
        mesh=mesh,
        scratch_types=[
            pltpu.VMEM((16,), jnp.int32),
            pltpu.VMEM((16, D), jnp.float32),
            pltpu.SemaphoreType.DMA,
        ],
        compiler_params=pltpu.CompilerParams(has_side_effects=True),
    )
    fn(y2d, acts, mask_idxs)


def kernel(x, W, b, acts, mask_idxs):
    B, S, D = x.shape
    K = mask_idxs.shape[0]
    N = B * S
    xr = x.reshape(N, D)
    wb = W.astype(jnp.bfloat16)
    br = b.reshape(1, D)
    y = _matmul(xr, wb, br, N, D, 512)
    _sc_scatter(y, acts, mask_idxs, S, K, D)
    return y.reshape(B, S, D)

# --- scband reference (transcript-rebuilt; emitter-appended) ---
"""Pipeline reference for scband-patch-49512382988808 (READ-ONLY COPY).

The authoritative reference and input builder live on the scoring server;
editing this copy changes nothing except your own understanding.
"""

import jax, jax.numpy as jnp
import numpy as np

B, S, D = 2, 8192, 768
MASK_IDXS = np.arange(0, S, 64).astype(np.int32)  # 128 positions
K = MASK_IDXS.shape[0]


def setup_inputs(seed: int = 0) -> dict:
    key = jax.random.key(seed)
    k1, k2, k3 = jax.random.split(key, 3)
    x = jax.random.normal(k1, (B, S, D), dtype=jnp.float32)
    # ff_layer = nn.Linear(768, 768) parameters
    W = jax.random.normal(k2, (D, D), dtype=jnp.float32) * 0.02
    b = jnp.zeros((D,), dtype=jnp.float32)
    # replacement_activations (init-time constant tensor in the torch module)
    acts = jax.random.normal(k3, (K, D), dtype=jnp.float32)
    mask_idxs = jnp.asarray(MASK_IDXS, dtype=jnp.int32)
    return {"x": x, "W": W, "b": b, "acts": acts, "mask_idxs": mask_idxs}


def reference(x, W, b, acts, mask_idxs):
    # x = self.ff(x)  (nn.Linear over last dim)
    y = x @ W + b
    # x[:, self.mask_idxs, :] = self.acts  (scatter-overwrite along seq dim,
    # acts broadcast over the batch dim)
    y = y.at[:, mask_idxs, :].set(acts[None, :, :])
    return y

if __name__ == "__main__":
    import jax
    _d = setup_inputs()
    print(jax.jit(kernel)(*tuple(_d.values())))

</pallas_src>

<mosaic_0001>
#map = affine_map<(d0, d1) -> (0, 0)>
#map1 = affine_map<(d0, d1) -> (0)>
module attributes {stable_mosaic.version = 14 : i64} {
  func.func @_sc_scatter_body(%arg0: i32, %arg1: i32, %arg2: memref<16384x768xf32, #tpu.memory_space<hbm>>, %arg3: memref<128x768xf32, #tpu.memory_space<hbm>>, %arg4: memref<128xi32, #tpu.memory_space<hbm>>, %arg5: memref<16xi32, #tpu.memory_space<vmem>>, %arg6: memref<16x768xf32, #tpu.memory_space<vmem>>, %arg7: memref<!tpu.dma_semaphore, #tpu.memory_space<semaphore_mem>>) attributes {dimension_semantics = [#tpu.dimension_semantics<core_parallel>, #tpu.dimension_semantics<subcore_parallel>], iteration_bounds = array<i64: 2, 16>, scalar_prefetch = 0 : i64, scratch_operands = 3 : i64, tpu.core_type = #tpu.core_type<sc_vector_subcore>, window_params = [{transform_indices = #map}, {transform_indices = #map}, {transform_indices = #map1}]} {
    %mul3A = arith.constant 2 : i32
    %mul3A_0 = arith.muli %arg1, %mul3A : i32
    %add3A = arith.addi %mul3A_0, %arg0 : i32
    %lt3A = arith.constant 16 : i32
    %lt3A_1 = arith.cmpi slt, %add3A, %lt3A : i32
    %convert_element_type3A = arith.extui %lt3A_1 : i1 to i32
    %cond3A = arith.constant 0 : i32
    %cond3A_2 = arith.cmpi ne, %convert_element_type3A, %cond3A : i32
    scf.if %cond3A_2 {
      %jit3A = arith.constant 8 : i32
      %div3A = arith.divsi %add3A, %jit3A : i32
      %sign3A = arith.constant 0 : i32
      %sign3A_3 = arith.cmpi sgt, %add3A, %sign3A : i32
      %sign3A_4 = arith.extui %sign3A_3 : i1 to i32
      %sign3A_5 = arith.constant 0 : i32
      %sign3A_6 = arith.cmpi slt, %add3A, %sign3A_5 : i32
      %sign3A_7 = arith.extui %sign3A_6 : i1 to i32
      %sign3A_8 = arith.subi %sign3A_4, %sign3A_7 : i32
      %sign3A_9 = arith.constant 0 : i32
      %sign3A_10 = arith.cmpi sgt, %jit3A, %sign3A_9 : i32
      %sign3A_11 = arith.extui %sign3A_10 : i1 to i32
      %sign3A_12 = arith.constant 0 : i32
      %sign3A_13 = arith.cmpi slt, %jit3A, %sign3A_12 : i32
      %sign3A_14 = arith.extui %sign3A_13 : i1 to i32
      %sign3A_15 = arith.subi %sign3A_11, %sign3A_14 : i32
      %ne3A = arith.cmpi ne, %sign3A_8, %sign3A_15 : i32
      %rem3A = arith.remsi %add3A, %jit3A : i32
      %ne3A_16 = arith.constant 0 : i32
      %ne3A_17 = arith.cmpi ne, %rem3A, %ne3A_16 : i32
      %and3A = arith.andi %ne3A, %ne3A_17 : i1
      %sub3A = arith.constant 1 : i32
      %sub3A_18 = arith.subi %div3A, %sub3A : i32
      %select_n3A = arith.select %and3A, %sub3A_18, %div3A : i32
      %jit3A_19 = arith.constant 8 : i32
      %eq3A = arith.constant 0 : i32
      %eq3A_20 = arith.cmpi eq, %jit3A_19, %eq3A : i32
      %jit3A_21 = arith.constant 1 : i32
      %select_n3A_22 = arith.select %eq3A_20, %jit3A_21, %jit3A_19 : i32
      %rem3A_23 = arith.remsi %add3A, %select_n3A_22 : i32
      %ne3A_24 = arith.constant 0 : i32
      %ne3A_25 = arith.cmpi ne, %rem3A_23, %ne3A_24 : i32
      %lt3A_26 = arith.constant 0 : i32
      %lt3A_27 = arith.cmpi slt, %rem3A_23, %lt3A_26 : i32
      %lt3A_28 = arith.constant 0 : i32
      %lt3A_29 = arith.cmpi slt, %select_n3A_22, %lt3A_28 : i32
      %ne3A_30 = arith.xori %lt3A_27, %lt3A_29 : i1
      %and3A_31 = arith.andi %ne3A_30, %ne3A_25 : i1
      %add3A_32 = arith.addi %rem3A_23, %select_n3A_22 : i32
      %select_n3A_33 = arith.select %and3A_31, %add3A_32, %rem3A_23 : i32
      %mul3A_34 = arith.constant 16 : i32
      %mul3A_35 = arith.muli %select_n3A_33, %mul3A_34 : i32
      "tpu.region"() ({
        %run_scoped3A = tpu.sem_alloc : memref<!tpu.dma_semaphore, #tpu.memory_space<semaphore_mem>>
        %dma_start3A_46 = tpu.memref_slice %arg4[%mul3A_35] : memref<128xi32, #tpu.memory_space<hbm>> -> memref<16xi32, #tpu.memory_space<hbm>>
        %dma_start3A_47 = tpu.memref_slice %arg4[%mul3A_35] : memref<128xi32, #tpu.memory_space<hbm>> -> memref<16xi32, #tpu.memory_space<hbm>>
        tpu.enqueue_dma source(%dma_start3A_47 : memref<16xi32, #tpu.memory_space<hbm>>) target(%arg5 : memref<16xi32, #tpu.memory_space<vmem>>) target_semaphore(%run_scoped3A : memref<!tpu.dma_semaphore, #tpu.memory_space<semaphore_mem>>)
        %dma_wait3A_48 = tpu.memref_slice %arg4[%mul3A_35] : memref<128xi32, #tpu.memory_space<hbm>> -> memref<16xi32, #tpu.memory_space<hbm>>
        %dma_wait3A_49 = tpu.memref_slice %arg4[%mul3A_35] : memref<128xi32, #tpu.memory_space<hbm>> -> memref<16xi32, #tpu.memory_space<hbm>>
        tpu.wait_dma2 semaphore(%run_scoped3A : memref<!tpu.dma_semaphore, #tpu.memory_space<semaphore_mem>>) src(%dma_wait3A_49 : memref<16xi32, #tpu.memory_space<hbm>>) dst(%arg5 : memref<16xi32, #tpu.memory_space<vmem>>)
        tpu.yield
      }) : () -> ()
      %get3A = arith.constant 0 : index
      %get3A_36 = tpu.vector_load %arg5[%get3A] {strides = array<i32>} : memref<16xi32, #tpu.memory_space<vmem>>, vector<16xi32>,
      %get3A_37 = vector.shape_cast %get3A_36 : vector<16xi32> to vector<16xi32>
      %mul3A_38 = arith.constant 8192 : i32
      %mul3A_39 = arith.muli %select_n3A, %mul3A_38 : i32
      %add3A_40 = vector.broadcast %mul3A_39 : i32 to vector<16xi32>
      %add3A_41 = arith.addi %get3A_37, %add3A_40 : vector<16xi32>
      "tpu.region"() ({
        %run_scoped3A = tpu.sem_alloc : memref<!tpu.dma_semaphore, #tpu.memory_space<semaphore_mem>>
        %dma_start3A_46 = arith.constant 0 : i32
        %dma_start3A_47 = tpu.memref_slice %arg3[%mul3A_35, %dma_start3A_46] : memref<128x768xf32, #tpu.memory_space<hbm>> -> memref<16x768xf32, #tpu.memory_space<hbm>>
        %dma_start3A_48 = arith.constant 0 : i32
        %dma_start3A_49 = tpu.memref_slice %arg3[%mul3A_35, %dma_start3A_48] : memref<128x768xf32, #tpu.memory_space<hbm>> -> memref<16x768xf32, #tpu.memory_space<hbm>>
        tpu.enqueue_dma source(%dma_start3A_49 : memref<16x768xf32, #tpu.memory_space<hbm>>) target(%arg6 : memref<16x768xf32, #tpu.memory_space<vmem>>) target_semaphore(%run_scoped3A : memref<!tpu.dma_semaphore, #tpu.memory_space<semaphore_mem>>)
        %dma_wait3A_50 = arith.constant 0 : i32
        %dma_wait3A_51 = tpu.memref_slice %arg3[%mul3A_35, %dma_wait3A_50] : memref<128x768xf32, #tpu.memory_space<hbm>> -> memref<16x768xf32, #tpu.memory_space<hbm>>
        %dma_wait3A_52 = arith.constant 0 : i32
        %dma_wait3A_53 = tpu.memref_slice %arg3[%mul3A_35, %dma_wait3A_52] : memref<128x768xf32, #tpu.memory_space<hbm>> -> memref<16x768xf32, #tpu.memory_space<hbm>>
        tpu.wait_dma2 semaphore(%run_scoped3A : memref<!tpu.dma_semaphore, #tpu.memory_space<semaphore_mem>>) src(%dma_wait3A_53 : memref<16x768xf32, #tpu.memory_space<hbm>>) dst(%arg6 : memref<16x768xf32, #tpu.memory_space<vmem>>)
        tpu.yield
      }) : () -> ()
      %dma_start3A = arith.constant 0 : i32
      %dma_start3A_42 = arith.constant 0 : i32
      %dma_start3A_43 = tpu.memref_slice %arg2[%dma_start3A, %dma_start3A_42] : memref<16384x768xf32, #tpu.memory_space<hbm>> -> memref<16384x768xf32, #tpu.memory_space<hbm>>
      tpu.enqueue_indirect_dma source(%arg6 : memref<16x768xf32, #tpu.memory_space<vmem>>) target(%dma_start3A_43 : memref<16384x768xf32, #tpu.memory_space<hbm>>) offsets(%add3A_41 : vector<16xi32>) semaphore(%arg7 : memref<!tpu.dma_semaphore, #tpu.memory_space<semaphore_mem>>)
      %dma_wait3A = arith.constant 0 : i32
      %dma_wait3A_44 = arith.constant 0 : i32
      %dma_wait3A_45 = tpu.memref_slice %arg2[%dma_wait3A, %dma_wait3A_44] : memref<16384x768xf32, #tpu.memory_space<hbm>> -> memref<16384x768xf32, #tpu.memory_space<hbm>>
      tpu.wait_indirect_dma semaphore(%arg7 : memref<!tpu.dma_semaphore, #tpu.memory_space<semaphore_mem>>) src(%arg6 : memref<16x768xf32, #tpu.memory_space<vmem>>) dst(%dma_wait3A_45 : memref<16384x768xf32, #tpu.memory_space<hbm>>)
    } else {
    }
    return
  }
}

module attributes {stable_mosaic.version = 14 : i64} {
  func.func @_mm_body(%arg0: i32, %arg1: memref<512x768xf32, #tpu.memory_space<vmem>>, %arg2: memref<768x768xbf16, #tpu.memory_space<vmem>>, %arg3: memref<1x768xf32, #tpu.memory_space<vmem>>, %arg4: memref<512x768xf32, #tpu.memory_space<vmem>>) attributes {dimension_semantics = [#tpu.dimension_semantics<arbitrary>], iteration_bounds = array<i64: 32>, scalar_prefetch = 0 : i64, scratch_operands = 0 : i64, tpu.core_type = #tpu.core_type<tc>, window_params = [{transform_indices = @transform_0, window_bounds = array<i64: 512, 768>}, {pipeline_mode = #tpu.pipeline_mode<synchronous>, transform_indices = @transform_1, window_bounds = array<i64: 768, 768>}, {pipeline_mode = #tpu.pipeline_mode<synchronous>, transform_indices = @transform_2, window_bounds = array<i64: 1, 768>}, {transform_indices = @transform_3, window_bounds = array<i64: 512, 768>}]} {
    %get3A = arith.constant 0 : index
    %get3A_0 = arith.constant 0 : index
    %get3A_1 = vector.load %arg1[%get3A, %get3A_0] : memref<512x768xf32, #tpu.memory_space<vmem>>, vector<512x768xf32>
    %convert_element_type3A = arith.truncf %get3A_1 : vector<512x768xf32> to vector<512x768xbf16>
    %get3A_2 = arith.constant 0 : index
    %get3A_3 = arith.constant 0 : index
    %get3A_4 = vector.load %arg2[%get3A_2, %get3A_3] : memref<768x768xbf16, #tpu.memory_space<vmem>>, vector<768x768xbf16>
    %dot_general3A = arith.constant dense<0.000000e+00> : vector<512x768xf32>
    %dot_general3A_5 = tpu.matmul %convert_element_type3A, %get3A_4, %dot_general3A {dimension_numbers = #tpu.dot_dimension_numbers<[1], [0], [0], [1], [0, 0, 1, 1], [], []>, transpose_lhs_hint = false} : vector<512x768xbf16>, vector<768x768xbf16>, vector<512x768xf32> -> vector<512x768xf32>
    %get3A_6 = arith.constant 0 : index
    %get3A_7 = arith.constant 0 : index
    %get3A_8 = vector.load %arg3[%get3A_6, %get3A_7] : memref<1x768xf32, #tpu.memory_space<vmem>>, vector<1x768xf32>
    %add3A = vector.broadcast %get3A_8 : vector<1x768xf32> to vector<512x768xf32>
    %add3A_9 = arith.addf %dot_general3A_5, %add3A : vector<512x768xf32>
    %swap3A = arith.constant 0 : index
    %swap3A_10 = arith.constant 0 : index
    %swap3A_11 = vector.load %arg4[%swap3A, %swap3A_10] : memref<512x768xf32, #tpu.memory_space<vmem>>, vector<512x768xf32>
    tpu.vector_store %arg4[%swap3A, %swap3A_10], %add3A_9 {strides = array<i32>} : memref<512x768xf32, #tpu.memory_space<vmem>>, vector<512x768xf32>,
    return
  }
  func.func @transform_0(%arg0: i32) -> (i32, i32) {
    %c0_i32 = arith.constant 0 : i32
    %c0_i32_0 = arith.constant 0 : i32
    return %arg0, %c0_i32 : i32, i32
  }
  func.func @transform_1(%arg0: i32) -> (i32, i32) {
    %c0_i32 = arith.constant 0 : i32
    %c0_i32_0 = arith.constant 0 : i32
    %c0_i32_1 = arith.constant 0 : i32
    return %c0_i32, %c0_i32_0 : i32, i32
  }
  func.func @transform_2(%arg0: i32) -> (i32, i32) {
    %c0_i32 = arith.constant 0 : i32
    %c0_i32_0 = arith.constant 0 : i32
    %c0_i32_1 = arith.constant 0 : i32
    return %c0_i32, %c0_i32_0 : i32, i32
  }
  func.func @transform_3(%arg0: i32) -> (i32, i32) {
    %c0_i32 = arith.constant 0 : i32
    %c0_i32_0 = arith.constant 0 : i32
    return %arg0, %c0_i32 : i32, i32
  }
}

</mosaic_0001>

<sc_bundles>
// kernel: kernel.4.cloned.1.call-start
scs
__scs_entry_jumppad:
0x0: {  	(pc) =	sbr.rel $0x88, $3  }
0x1: {  	(tag) =	ssettag $0x0;
	lr =	simm.s32 $0x1  }
0x2: {  	[smem:$0x3F9C] =	sst lr;
	_ =	strace $0xD0000000  }
0x3: {  	_ = 	snop  }
0x4: {  	_ = 	snop  }
0x5: {  	_ = 	snop  }
0x6: {  	_ = 	snop  }
0x7: {  	_ = 	snop  }
__scs_overlays_trampoline_lowered:
0x8: {  	[smem:$0x3FAB] =	sst s0  }
0x9: {  	[smem:$0x3FAC] =	sst s1  }
0xa: {  	[smem:$0x3FAD] =	sst s2  }
0xb: {  	[smem:$0x3FAE] =	sst s3  }
0xc: {  	[smem:$0x3FAF] =	sst s4  }
0xd: {  	[smem:$0x3FB0] =	sst s5  }
0xe: {  	[smem:$0x3FB1] =	sst s6  }
0xf: {  	[smem:$0x3FB2] =	sst s7  }
0x10: {  	[smem:$0x3FB3] =	sst s8  }
0x11: {  	[smem:$0x3FB4] =	sst s9;
	s0 =	simm.s32 @!p0 $0x0  }
0x12: {  	s1 =	sld [smem:$0x3F9A];
	s0 =	simm.s32 @p0 $0x1  }
0x13: {  	[smem:$0x3FB5] =	sst s0;
	s0 =	simm.s32 @!p1 $0x0  }
0x14: {  	s2 =	sld [smem:$0x3F99];
	s0 =	simm.s32 @p1 $0x1  }
0x15: {  	[smem:$0x3FB6] =	sst s0;
	s0 =	simm.s32 @!p2 $0x0  }
0x16: {  	s3 =	sld [smem:$0x3FDB];
	s0 =	simm.s32 @p2 $0x1  }
0x17: {  	s4 =	simm.s32 $0x1BF5;
	[smem:$0x3FB8] =	sst s0  }
0x18: {  	s0 =	sld [smem:$0x3F9B];
	_ =	swait.ge [sflag:s4], $0x0  }
0x19: {  	s7 =	sld [smem:$0x3F9C]  }
0x1a: {  	s8 =	sadd.s32 $0xFFFFE003, lr  }
0x1b: {  	s9 =	sadd.s32 $0xFFFFFEF7, lr;
	s5 =	simm.s32 $0xFFFFFFFF;
	p2 =	slt.u32 s8, $0xFFFFF086  }
0x1c: {  	p1 =	slt.u32 s9, $0xF7A;
	s5 =	simm.s32 @!p2 $0x0  }
0x1d: {  	s5 =	simm.s32 @p1 $0x1;
	p0 =	seq.s32 s7, s2  }
0x1e: {  	s7 =	smul.u32 @!p0 $0xF7A, s2;
	p2 =	seq.s32 @!p0 s5, $0x0  }
0x1f: {  	s9 =	smul.u32 $0xF7A, s1;
	s8 =	simm.s32 @!p0 $0x1BF5;
	p2 =	por !p2, p0  }
0x20: {  	[sflag:s8] =	ssyncset.s32 @!p0 $0xFFFFF086;
	s6 =	sadd.s32 @!p0 s3, s7;
	s7 =	simm.s32 @!p0 $0x108  }
0x21: {  	s3 =	sadd.s32 s3, s9;
	s6 =	sadd.s32 @!p0 $0x88, s6;
	s7 =	simm.s32 @p2 $0x1082  }
0x22: {  	[simem:s7], [sflag:s8] =	dma.local @!p0 [hbm:s6], $0xF7A  }
0x23: {  	s9 =	sor.u32 $0xD0000000, s2;
	s6 =	simm.s32 $0x108;
	_ =	swait.ge @!p0 [sflag:s8], $0x0  }
0x24: {  	s3 =	sadd.s32 $0x88, s3;
	s6 =	simm.s32 @!p1 $0x1082;
	[sflag:s4] =	ssyncset.s32 $0xFFFFF086  }
0x25: {  	[simem:s6], [sflag:s4] =	dma.local [hbm:s3], $0xF7A  }
0x26: {  	[smem:$0x3F9C] =	sst s1;
	(tag) =	ssettag s2;
	_ =	strace s9  }
0x27: {  	s1 =	sld [smem:$0x3FAC]  }
0x28: {  	s2 =	sld [smem:$0x3FAD]  }
0x29: {  	s4 =	sld [smem:$0x3FAF]  }
0x2a: {  	p0 =	seq.s32 s5, $0x0;
	s5 =	sld [smem:$0x3FB0]  }
0x2b: {  	s6 =	sld [smem:$0x3FB1]  }
0x2c: {  	s7 =	sld [smem:$0x3FB2]  }
0x2d: {  	s3 =	simm.s32 $0x108;
	s8 =	sld [smem:$0x3FB3]  }
0x2e: {  	s3 =	simm.s32 @!p0 $0x1082;
	s9 =	sld [smem:$0x3FB4]  }
0x2f: {  	lr =	sadd.s32 s0, s3;
	s0 =	sld [smem:$0x3FAB]  }
0x30: {  	s3 =	sld [smem:$0x3FAE]  }
0x31: {  	[smem:$0x3FB7] =	sst s10  }
0x32: {  	s10 =	sld [smem:$0x3FB5];
	_ =	sdelay $0x3  }
0x33: {  	p0 =	seq.s32 s10, $0x1;
	s10 =	sld [smem:$0x3FB7];
	_ =	sdelay $0x3  }
0x34: {  	[smem:$0x3FB7] =	sst s10  }
0x35: {  	s10 =	sld [smem:$0x3FB6];
	_ =	sdelay $0x3  }
0x36: {  	p1 =	seq.s32 s10, $0x1;
	s10 =	sld [smem:$0x3FB7];
	_ =	sdelay $0x3  }
0x37: {  	[smem:$0x3FB7] =	sst s10  }
0x38: {  	s10 =	sld [smem:$0x3FB8]  }
0x39: {  	_ = 	snop;
	(pc) =	sbr.ind lr, $3  }
0x3a: {  	_ = 	snop  }
0x3b: {  	_ = 	snop  }
0x3c: {  	p2 =	seq.s32 s10, $0x1;
	s10 =	sld [smem:$0x3FB7]  }
0x3d: {  	_ =	shalt  }
0x3e: {  	_ =	shalt  }
0x3f: {  	_ =	shalt  }
0x40: {  	_ =	shalt  }
0x41: {  	_ =	shalt  }
0x42: {  	_ =	shalt  }
0x43: {  	_ =	shalt  }
0x44: {  	_ =	shalt  }
0x45: {  	_ =	shalt  }
0x46: {  	_ =	shalt  }
0x47: {  	_ =	shalt  }
0x48: {  	_ =	shalt  }
0x49: {  	_ =	shalt  }
0x4a: {  	_ =	shalt  }
0x4b: {  	_ =	shalt  }
0x4c: {  	_ =	shalt  }
0x4d: {  	_ =	shalt  }
0x4e: {  	_ =	shalt  }
0x4f: {  	_ =	shalt  }
0x50: {  	_ =	shalt  }
0x51: {  	_ =	shalt  }
0x52: {  	_ =	shalt  }
0x53: {  	_ =	shalt  }
0x54: {  	_ =	shalt  }
0x55: {  	_ =	shalt  }
0x56: {  	_ =	shalt  }
0x57: {  	_ =	shalt  }
0x58: {  	_ =	shalt  }
0x59: {  	_ =	shalt  }
0x5a: {  	_ =	shalt  }
0x5b: {  	_ =	shalt  }
0x5c: {  	_ =	shalt  }
0x5d: {  	_ =	shalt  }
0x5e: {  	_ =	shalt  }
0x5f: {  	_ =	shalt  }
0x60: {  	_ =	shalt  }
0x61: {  	_ =	shalt  }
0x62: {  	_ =	shalt  }
0x63: {  	_ =	shalt  }
0x64: {  	_ =	shalt  }
0x65: {  	_ =	shalt  }
0x66: {  	_ =	shalt  }
0x67: {  	_ =	shalt  }
0x68: {  	_ =	shalt  }
0x69: {  	_ =	shalt  }
0x6a: {  	_ =	shalt  }
0x6b: {  	_ =	shalt  }
0x6c: {  	_ =	shalt  }
0x6d: {  	_ =	shalt  }
0x6e: {  	_ =	shalt  }
0x6f: {  	_ =	shalt  }
0x70: {  	_ =	shalt  }
0x71: {  	_ =	shalt  }
0x72: {  	_ =	shalt  }
0x73: {  	_ =	shalt  }
0x74: {  	_ =	shalt  }
0x75: {  	_ =	shalt  }
0x76: {  	_ =	shalt  }
0x77: {  	_ =	shalt  }
0x78: {  	_ =	shalt  }
0x79: {  	_ =	shalt  }
0x7a: {  	_ =	shalt  }
0x7b: {  	_ =	shalt  }
0x7c: {  	_ =	shalt  }
0x7d: {  	_ =	shalt  }
0x7e: {  	_ =	shalt  }
0x7f: {  	_ =	shalt  }
0x80: {  	_ =	shalt  }
0x81: {  	_ =	shalt  }
0x82: {  	_ =	shalt  }
0x83: {  	_ =	shalt  }
0x84: {  	_ =	shalt  }
0x85: {  	_ =	shalt  }
0x86: {  	_ =	shalt  }
0x87: {  	_ =	shalt  }
.Lfunc_end0:
.L_simem_size_0:
called_computation_lowered:
.L_overlay_start_0:
0x88: {  	s2 =	sld [smem:$0x3FD9]  }
0x89: {  	s3 =	sld [smem:$0x3FFE];
	_ =	sdelay $0x1  }
0x8a: {  	s1 =	srdreg.scid  }
0x8b: {  	s0 =	sand.u32 $0x1, s1  }
0x8c: {  	s18 =	sshll.u32 s0, $0xA;
	s2 =	sadd.s32 s3, s2  }
0x8d: {  	s2 =	sadd.s32 s2, s18  }
0x8e: {  	[smem:$0x3FC3] =	sst s2  }
0x8f: {  	_ = 	snop  }
0x90: {  	s2 =	sld [smem:$0x3FC6]  }
0x91: {  	s19 =	sld [smem:$0x3FC5]  }
0x92: {  	s4 =	sld [smem:$0x3FD0];
	(tm) =	ssettm $0x1  }
0x93: {  	s5 =	sld [smem:$0x3FFB];
	_ =	sdelay $0x3  }
0x94: {  	_ =	strace s5  }
0x95: {  	s5 =	sld [smem:$0x3FFC];
	_ =	sdelay $0x3  }
0x96: {  	_ =	strace s5  }
0x97: {  	s5 =	sld [smem:$0x3FFD];
	_ =	sdelay $0x3  }
0x98: {  	_ =	strace s5  }
0x99: {  	_ =	strace $0x8FFFFFFF  }
0x9a: {  	s20 =	sld [smem:$0x3FDB];
	_ =	sdelay $0x1  }
0x9b: {  	s6 =	simm.s32 $_scs_section_size  }
0x9c: {  	s7 =	simm.s32 $_size__tile_overlayer_lowered;
	s8 =	simm.s32 $_tile_overlayer_lowered  }
0x9d: {  	s23 =	simm.s32 $0x1BFF;
	s22 =	sshll.u32 s8, $0x1;
	s5 =	sadd.s32 s6, s20  }
0x9e: {  	s9 =	simm.s32 $0x0;
	s21 =	sshll.u32 s7, $0x1;
	s7 =	sadd.s32 s22, s5  }
0x9f: {  	[timem:s9], [sflag:s23] =	dma.local [hbm:s7], s21  }
0xa0: {  	_ =	swait.ge [sflag:s23], s21  }
0xa1: {  	s6 =	ssub.s32 $0x0, s21;
	[sflag:s23] =	ssyncset.done $0x0  }
0xa2: {  	[sflag:s23] =	ssyncadd.s32 s6;
	_ =	sdelay $0x1  }
0xa3: {  	s24 =	simm.s32 $0x1B8B  }
0xa4: {  	_ =	swait.ge [sflag:s24], $0x1  }
0xa5: {  	[sflag:s24] =	ssyncset.done $0x0  }
0xa6: {  	s25 =	simm.s32 $0x1B8E;
	[sflag:s24] =	ssyncadd.s32 $0xFFFFFFFF  }
0xa7: {  	s26 =	simm.s32 $execute0_lowered;
	[smem:$0x3FD2] =	sst s25  }
0xa8: {  	s6 =	sshll.u32 s26, $0x1;
	_ =	strace $0x80000046;
	[dreg:$0x1] =	wrdreg $0xFFFFFFFF  }
0xa9: {  	s28 =	simm.s32 $_size_execute0_lowered;
	s5 =	sadd.s32 s5, s6;
	[dreg:$0x0] =	wrdreg $0x0  }
0xaa: {  	s6 =	sshll.u32 s28, $0x1;
	[dreg:$0x2] =	wrdreg s5  }
0xab: {  	[dreg:$0x3] =	wrdreg s6  }
0xac: {  	[dreg:$0x4] =	wrdreg $0xC0  }
0xad: {  	_ =	task [dreg:s9], $0x5FFFF  }
0xae: {  	[dreg:$0x1] =	wrdreg $0xFFFFFFFF  }
0xaf: {  	[dreg:$0x0] =	wrdreg $0x60  }
0xb0: {  	[dreg:$0x2] =	wrdreg s4  }
0xb1: {  	[dreg:$0x3] =	wrdreg s2  }
0xb2: {  	[dreg:$0x4] =	wrdreg s19  }
0xb3: {  	[dreg:$0x5] =	wrdreg $0x9  }
0xb4: {  	_ =	task.clear_ibuf [dreg:s9], $0x6FFFF;
	_ =	strace $0x90000046  }
0xb5: {  	s29 =	simm.s32 $0x9;
	_ =	strace $0x80000048  }
0xb6: {  	_ =	swait.ge [sflag:s29], $0x1  }
0xb7: {  	[sflag:s29] =	ssyncadd.s32 $0xFFFFFFFF  }
0xb8: {  	_ =	strace $0x90000048  }
0xb9: {  	_ =	sfence  }
0xba: {  	s30 =	sld [smem:$0x0];
	_ =	sdelay $0x2  }
0xbb: {  	s31 =	sshll.u32 s1, $0xD;
	s1 =	sshrl.u32 s1, $0x2  }
0xbc: {  	s3 =	sand.u32 $0x4000, s31;
	s1 =	sadd.s32 s1, s30  }
0xbd: {  	s0 =	sor.u32 s3, s0;
	s1 =	sshll.u32 s1, $0x11  }
0xbe: {  	s0 =	sor.u32 s1, s0  }
0xbf: {  	s0 =	sadd.s32 $0x8F2B, s0  }
0xc0: {  	[sflag:s0] =	ssyncadd.remote.s32 $0x1  }
0xc1: {  	_ =	sfence.sel $0xFFFF  }
0xc2: {  	[dreg:$0x0] =	wrdreg $0xFFFFFFFF;
	(pc) =	sbr.abs _section_cstart, $3  }
0xc3: {  	[dreg:$0x1] =	wrdreg $0xFFFFFFFF  }
0xc4: {  	_ =	task.clear_ibuf [dreg:s9], $0x2FFFF;
	_ =	strace $0x9FFFFFFF  }
0xc5: {  	(tm) =	ssettm $0x7FFFFFFF  }
tec
execute0_lowered:
.L_overlay_start_1:
0x0: {  	(tag) =	ssettag $0x1  }
0x1: {  	s1 =	stileid.u32  }
0x2: {  	p0 =	sgt.u32 s1, $0x7  }
.Ltmp0:
0x3: {  	s2 =	rddreg [dreg:$0x0];
	(pc) =	sbr.rel @p0 .LBB2_4-.Ltmp0, $4  }
0x4: {  	s6 =	rddreg [dreg:$0x1]  }
0x5: {  	s4 =	rddreg [dreg:$0x2];
	s3 =	simm.s32 $0x0  }
0x6: {  	[smem:$0x7FF] =	sst s3  }
0x7: {  	s0 =	rddreg [dreg:$0x3];
	_ =	strace $0x80000047  }
0x8: {  	s5 =	srdreg.scid;
	s7 =	sshll.u32 s1, $0x1  }
0x9: {  	s11 =	sand.u32 $0x1, s5;
	s31 =	sand.u32 $0x6, s7  }
0xa: {  	s7 =	sor.u32 s11, s31  }
0xb: {  	s5 =	sshll.u32 s7, $0x1  }
0xc: {  	s4 =	sadd.s32 s4, s5;
	s5 =	simm.s32 $0x2  }
0xd: {  	[tilespmem:s3], [sflag:$0x2] =	stream.linear.gather [hbm4b:s4+s3], $0x10, $0x38;
	[tilespmem:$0x3080] =	vst v63  }
0xe: {  	_ =	swait.ge [sflag:s5], $0x10  }
0xf: {  	[sflag:s5] =	ssyncset.done $0x0  }
0x10: {  	[sflag:s5] =	ssyncadd.s32 $0xFFFFFFF0  }
0x11: {  	v1 =	vld [tilespmem:$0x0];
	_ =	sdelay $0x1  }
0x12: {  	s8 =	sshll.u32 s1, $0xB  }
0x13: {  	s8 =	sand.u32 $0x2000, s8  }
0x14: {  	v0 =	vmov s8  }
0x15: {  	v2 =	vadd.s32 v0, v1  }
0x16: {  	v2 =	vshrl.u32 v2, $0x3  }
0x17: {  	v2 =	vmul.u32 $0x30, v2  }
0x18: {  	v3 =	vlaneseq.u32;
	v4 =	vand.u32 $0x7, v1  }
0x19: {  	v5 =	vshrl.u32 v3, $0x3;
	v1 =	vand.u32 $0x7, v3;
	v4 =	vor.u32 v4, v2  }
0x1a: {  	s7 =	smul.u32 $0x600, s7;
	v2 =	vmul.u32 $0x8, v5;
	v5 =	vperm.xlane v4, v1;
	_ =	sdelay $0x1  }
0x1b: {  	s6 =	sadd.s32 s6, s7;
	s7 =	simm.s32 $0x80;
	v5 =	vadd.s32 v2, v5  }
0x1c: {  	[tilespmem:s7], [sflag:$0x2] =	stream.linear.gather [hbm4b:s6+s3], $0x3000, $0x38;
	[tilespmem:$0x3080] =	vst v63  }
0x1d: {  	_ =	swait.ge [sflag:s5], $0x3000  }
0x1e: {  	[sflag:s5] =	ssyncset.done $0x0;
	v3 =	vor.u32 $0x8, v3  }
0x1f: {  	vm0 =	vmmov $0xffff;
	s13 =	ssub.s32 $0x2, s11;
	[sflag:s5] =	ssyncadd.s32 $0xFFFFD000;
	v4 =	vperm.xlane v4, v3  }
0x20: {  	[hbm4b:s2+s3] =	stream.indirect_vreg.scatter [tilespmem:s7], [sflag:$0x1], $0x80, v5, vm0, $0xb8;
	[tilespmem:$0x3080] =	vst v63  }
0x21: {  	s9 =	simm.s32 $0x880;
	s8 =	sadd.s32 $0x100, s2;
	s14 =	sshrl.u32 s13, $0x1;
	v4 =	vadd.s32 v2, v4  }
0x22: {  	[hbm4b:s8+s3] =	stream.indirect_vreg.scatter [tilespmem:s9], [sflag:$0x1], $0x80, v5, vm0, $0xb8;
	[tilespmem:$0x3080] =	vst v63  }
0x23: {  	s10 =	sadd.s32 $0x200, s2;
	s11 =	simm.s32 $0x1080;
	s14 =	ssub.s32 s13, s14  }
0x24: {  	[hbm4b:s10+s3] =	stream.indirect_vreg.scatter [tilespmem:s11], [sflag:$0x1], $0x80, v5, vm0, $0xb8;
	[tilespmem:$0x3080] =	vst v63  }
0x25: {  	s12 =	simm.s32 $0x1880;
	s16 =	smax.u32 s14, $0x1  }
0x26: {  	[hbm4b:s2+s3] =	stream.indirect_vreg.scatter [tilespmem:s12], [sflag:$0x1], $0x80, v4, vm0, $0xb8;
	[tilespmem:$0x3080] =	vst v63  }
0x27: {  	s13 =	simm.s32 $0x2080;
	p0 =	sne.s32 s16, $0x1  }
0x28: {  	[hbm4b:s8+s3] =	stream.indirect_vreg.scatter [tilespmem:s13], [sflag:$0x1], $0x80, v4, vm0, $0xb8;
	[tilespmem:$0x3080] =	vst v63  }
.Ltmp1:
0x29: {  	_ = 	snop;
	(pc) =	sbr.rel @!p0 .LBB2_3-.Ltmp1, $4  }
0x2a: {  	s15 =	simm.s32 $0x2880;
	s14 =	simm.s32 $0x1  }
0x2b: {  	[hbm4b:s10+s3] =	stream.indirect_vreg.scatter [tilespmem:s15], [sflag:$0x1], $0x80, v4, vm0, $0xb8;
	[tilespmem:$0x3080] =	vst v63  }
0x2c: {  	_ =	swait.ge [sflag:s14], $0x3000  }
0x2d: {  	s16 =	sadd.s32 $0xFFFFFFFF, s16;
	[sflag:s14] =	ssyncset.done $0x0  }
.LBB2_2:
0x2e: {  	p0 =	sne.s32 s16, $0x1;
	s16 =	sadd.s32 $0xFFFFFFFF, s16;
	[sflag:s14] =	ssyncadd.s32 $0xFFFFD000  }
0x2f: {  	_ = 	snop  }
0x30: {  	[tilespmem:s3], [sflag:$0x2] =	stream.linear.gather [hbm4b:s4+s3], $0x10, $0x38;
	[tilespmem:$0x3080] =	vst v63  }
0x31: {  	_ =	swait.ge [sflag:s5], $0x10  }
0x32: {  	[sflag:s5] =	ssyncset.done $0x0  }
0x33: {  	[sflag:s5] =	ssyncadd.s32 $0xFFFFFFF0  }
0x34: {  	v4 =	vld [tilespmem:$0x0]  }
0x35: {  	[tilespmem:s7], [sflag:$0x2] =	stream.linear.gather [hbm4b:s6+s3], $0x3000, $0x38;
	[tilespmem:$0x3080] =	vst v63  }
0x36: {  	_ =	sdelay $0x2  }
0x37: {  	v5 =	vadd.s32 v0, v4  }
0x38: {  	v5 =	vshrl.u32 v5, $0x3  }
0x39: {  	v5 =	vmul.u32 $0x30, v5  }
0x3a: {  	v4 =	vand.u32 $0x7, v4  }
0x3b: {  	v4 =	vor.u32 v4, v5  }
0x3c: {  	v5 =	vperm.xlane v4, v1;
	v4 =	vperm.xlane v4, v3;
	_ =	sdelay $0x1  }
0x3d: {  	v5 =	vadd.s32 v2, v5;
	_ =	sdelay $0x1  }
0x3e: {  	_ =	swait.ge [sflag:s5], $0x3000  }
0x3f: {  	[sflag:s5] =	ssyncset.done $0x0  }
0x40: {  	[sflag:s5] =	ssyncadd.s32 $0xFFFFD000  }
0x41: {  	[hbm4b:s2+s3] =	stream.indirect_vreg.scatter [tilespmem:s7], [sflag:$0x1], $0x80, v5, vm0, $0xb8;
	[tilespmem:$0x3080] =	vst v63  }
0x42: {  	v4 =	vadd.s32 v2, v4  }
0x43: {  	[hbm4b:s8+s3] =	stream.indirect_vreg.scatter [tilespmem:s9], [sflag:$0x1], $0x80, v5, vm0, $0xb8;
	[tilespmem:$0x3080] =	vst v63  }
0x44: {  	_ = 	snop  }
0x45: {  	[hbm4b:s10+s3] =	stream.indirect_vreg.scatter [tilespmem:s11], [sflag:$0x1], $0x80, v5, vm0, $0xb8;
	[tilespmem:$0x3080] =	vst v63  }
0x46: {  	_ = 	snop  }
0x47: {  	[hbm4b:s2+s3] =	stream.indirect_vreg.scatter [tilespmem:s12], [sflag:$0x1], $0x80, v4, vm0, $0xb8;
	[tilespmem:$0x3080] =	vst v63  }
0x48: {  	_ = 	snop  }
0x49: {  	[hbm4b:s8+s3] =	stream.indirect_vreg.scatter [tilespmem:s13], [sflag:$0x1], $0x80, v4, vm0, $0xb8;
	[tilespmem:$0x3080] =	vst v63  }
.Ltmp2:
0x4a: {  	_ = 	snop;
	(pc) =	sbr.rel @p0 .LBB2_2-.Ltmp2, $4  }
0x4b: {  	_ = 	snop  }
0x4c: {  	[hbm4b:s10+s3] =	stream.indirect_vreg.scatter [tilespmem:s15], [sflag:$0x1], $0x80, v4, vm0, $0xb8;
	[tilespmem:$0x3080] =	vst v63  }
0x4d: {  	_ =	swait.ge [sflag:s14], $0x3000  }
0x4e: {  	[sflag:s14] =	ssyncset.done $0x0  }
.LBB2_3:
0x4f: {  	[sflag:s14] =	ssyncadd.s32 $0xFFFFD000  }
.LBB2_4:
0x50: {  	_ =	sfence.sel $0x180000  }
0x51: {  	[bflag:$0x0] =	sbarrier.arrive $0xFFFF  }
0x52: {  	p0 =	sne.s32 s1, $0x0;
	_ =	strace $0x90000047  }
0x53: {  	s0 =	sadd.s32 @!p0 $0x100000, s0;
	[bflag:$0x2] =	sbarrier.arrive $0xFFFF  }
0x54: {  	[sflag:s0] =	ssyncadd.tile.s32 @!p0 $0x1;
	_ =	shalt  }
.Lfunc_end2:
_tile_overlayer_lowered:
.L_overlay_start_2:
0x55: {  	(tag) =	ssettag $0x2  }
0x56: {  	s0 =	rddreg [dreg:$0x0];
	s2 =	stileid.u32  }
0x57: {  	s1 =	rddreg [dreg:$0x1];
	p0 =	sne.s32 s2, $0x0  }
0x58: {  	s3 =	rddreg [dreg:$0x2];
	[bflag:$0x3] =	sbarrier.arrive $0xFFFF;
	s2 =	simm.s32 @!p0 $0x1C02  }
0x59: {  	[timem:s3], [sflag:s2] =	dma.local @!p0 [hbm:s0], s1  }
0x5a: {  	s0 =	simm.s32 @!p0 $0x2  }
0x5b: {  	_ =	swait.ge @!p0 [sflag:s0], s1  }
0x5c: {  	s1 =	ssub.s32 @!p0 $0x0, s1;
	[sflag:s0] =	ssyncset.done @!p0 $0x0  }
0x5d: {  	[sflag:s0] =	ssyncadd.s32 @!p0 s1  }
0x5e: {  	[bflag:$0x3] =	sbarrier.arrive $0xFFFF  }
0x5f: {  	_ =	shalt  }

</sc_bundles>
